<compile_context>
chip_gen: v7x
topology: tpu7x:2x2x1
jax: 0.10.2.dev20260603
libtpu: 0.0.44.dev20260713+nightly
codegen_flags: <defaults>
</compile_context>

<pallas_src>
import functools

import jax
import jax.numpy as jnp
from jax import lax
from jax.experimental import pallas as pl
from jax.experimental.pallas import tpu as pltpu
from jax.experimental.pallas import tpu_sc as plsc

B = 1024
IN_DIM = 1024
K = 8192
D = 32
NQ = 8
NH = 100
NHP = 128
M = B * NQ
MBLK = 256

_SQRT_HALF = 0.7071067811865476


def _gelu(v):
    return 0.5 * v * (1.0 + lax.erf(v * _SQRT_HALF))


def _encoder_body(x_ref, w1_ref, b1_ref, w2_ref, b2_ref, w3_ref, b3_ref,
                  ze_ref):
    h = jnp.dot(x_ref[...], w1_ref[...], preferred_element_type=jnp.float32)
    h = _gelu(h + b1_ref[...])
    h = jnp.dot(h, w2_ref[...], preferred_element_type=jnp.float32)
    h = _gelu(h + b2_ref[...])
    z = jnp.dot(h, w3_ref[...], preferred_element_type=jnp.float32)
    ze_ref[...] = z + b3_ref[...]


def _quant_body(ze_ref, et_ref, idx_ref, oh_ref):
    s = jnp.dot(ze_ref[...], et_ref[...], preferred_element_type=jnp.float32)
    idx = lax.argmax(s, axis=1, index_dtype=jnp.int32)
    io = lax.broadcasted_iota(jnp.int32, (MBLK, K), 1)
    oh_ref[...] = (io == idx[:, None]).astype(jnp.int32)
    idx_ref[...] = idx.reshape(1, 2, 128)


_DNT = (((1,), (1,)), ((), ()))


def _decoder_body(x_ref, zq_ref, ze_ref, w1_ref, b1_ref, w2_ref, b2_ref,
                  w3_ref, b3_ref, xp_ref, loss_ref):
    h = lax.dot_general(zq_ref[...], w1_ref[...], _DNT,
                        preferred_element_type=jnp.float32)
    h = _gelu(h + b1_ref[...])
    h = lax.dot_general(h, w2_ref[...], _DNT,
                        preferred_element_type=jnp.float32)
    h = _gelu(h + b2_ref[...])
    logits = lax.dot_general(h, w3_ref[...], _DNT,
                             preferred_element_type=jnp.float32)
    xp = jax.nn.sigmoid(logits + b3_ref[...])
    xp_ref[...] = xp
    mse = jnp.mean((x_ref[...] - xp) ** 2)
    zl = jnp.mean((ze_ref[...] - zq_ref[...]) ** 2)
    loss_ref[...] = jnp.broadcast_to((mse + 1.25 * zl) / B, (1, 128))


def _sc_gather(table, idx2d):
    info = plsc.get_sparse_core_info()
    nc, ns = info.num_cores, info.num_subcores
    nw = nc * ns
    b_per_w = M // nw
    chunks = b_per_w // 128
    mesh = plsc.VectorSubcoreMesh(core_axis_name="c", subcore_axis_name="s")

    @functools.partial(
        pl.kernel, mesh=mesh,
        out_type=jax.ShapeDtypeStruct((M, D), jnp.float32),
        compiler_params=pltpu.CompilerParams(use_tc_tiling_on_sc=False),
        scratch_types=[
            pltpu.VMEM((chunks, 128), jnp.int32),
            pltpu.VMEM((b_per_w, D), jnp.float32),
            pltpu.SemaphoreType.DMA,
        ],
    )
    def gather_kernel(table_hbm, idx_hbm, out_hbm, idx_v, rows_v, sem):
        wid = lax.axis_index("s") * nc + lax.axis_index("c")
        base = wid * b_per_w
        pltpu.sync_copy(idx_hbm.at[pl.ds(wid * chunks, chunks)], idx_v)
        cps = [
            pltpu.async_copy(table_hbm.at[idx_v.at[j]],
                             rows_v.at[pl.ds(j * 128, 128)], sem)
            for j in range(chunks)
        ]
        for cp in cps:
            cp.wait()
        pltpu.sync_copy(rows_v, out_hbm.at[pl.ds(base, b_per_w)])

    return gather_kernel(table, idx2d)


def kernel(x, embed_pool, We1, be1, We2, be2, We3, be3,
           Wd1, bd1, Wd2, bd2, Wd3, bd3):
    f32 = jnp.float32
    w1t = jnp.pad(We1, ((0, NHP - NH), (0, 0))).T
    b1 = jnp.pad(be1, (0, NHP - NH)).reshape(1, NHP)
    w2t = jnp.pad(We2, ((0, NHP - NH), (0, NHP - NH))).T
    b2 = jnp.pad(be2, (0, NHP - NH)).reshape(1, NHP)
    w3t = jnp.pad(We3, ((0, 0), (0, NHP - NH))).T
    b3 = be3.reshape(1, NQ * D)
    bd1p = bd1.reshape(1, NH)
    bd2p = bd2.reshape(1, NH)
    bd3p = bd3.reshape(1, IN_DIM)
    et = embed_pool.T

    z_e = pl.pallas_call(
        _encoder_body,
        out_shape=jax.ShapeDtypeStruct((B, NQ * D), f32),
    )(x, w1t, b1, w2t, b2, w3t, b3)

    ze_flat = z_e.reshape(M, D)
    nblk = M // MBLK
    z_index3, onehot = pl.pallas_call(
        _quant_body,
        grid=(nblk,),
        in_specs=[
            pl.BlockSpec((MBLK, D), lambda i: (i, 0)),
            pl.BlockSpec((D, K), lambda i: (0, 0)),
        ],
        out_specs=[
            pl.BlockSpec((1, 2, 128), lambda i: (i, 0, 0)),
            pl.BlockSpec((MBLK, K), lambda i: (i, 0)),
        ],
        out_shape=[
            jax.ShapeDtypeStruct((nblk, 2, 128), jnp.int32),
            jax.ShapeDtypeStruct((M, K), jnp.int32),
        ],
    )(ze_flat, et)

    z_q = _sc_gather(embed_pool, z_index3.reshape(M // 128, 128))

    zq2d = z_q.reshape(B, NQ * D)
    x_pred, loss2 = pl.pallas_call(
        _decoder_body,
        out_shape=[
            jax.ShapeDtypeStruct((B, IN_DIM), f32),
            jax.ShapeDtypeStruct((1, 128), f32),
        ],
    )(x, zq2d, z_e, Wd1, bd1p, Wd2, bd2p, Wd3, bd3p)

    z_discrete = onehot.reshape(B, NQ, K)
    return x_pred, z_discrete, loss2[0, 0]

# --- scband reference (transcript-rebuilt; emitter-appended) ---
"""Pipeline reference for scband-min-vqvae-cos-multi-query-12902081757259 (READ-ONLY COPY).

The authoritative reference and input builder live on the scoring server;
editing this copy changes nothing except your own understanding.
"""

import jax, jax.numpy as jnp
import numpy as np

B = 1024
INPUT_DIM = 1024
K = 8192
D = 32
NQ = 8
NH = 100


def setup_inputs(seed: int = 0) -> dict:
    key = jax.random.key(seed)
    ks = jax.random.split(key, 16)
    x = jax.random.uniform(ks[0], (B, INPUT_DIM), dtype=jnp.float32)
    embed_pool = jax.random.normal(ks[1], (K, D), dtype=jnp.float32)
    We1 = jax.random.normal(ks[2], (NH, INPUT_DIM), dtype=jnp.float32) * 0.05
    be1 = jnp.zeros((NH,), dtype=jnp.float32)
    We2 = jax.random.normal(ks[3], (NH, NH), dtype=jnp.float32) * 0.05
    be2 = jnp.zeros((NH,), dtype=jnp.float32)
    We3 = jax.random.normal(ks[4], (NQ * D, NH), dtype=jnp.float32) * 0.05
    be3 = jnp.zeros((NQ * D,), dtype=jnp.float32)
    Wd1 = jax.random.normal(ks[5], (NH, NQ * D), dtype=jnp.float32) * 0.05
    bd1 = jnp.zeros((NH,), dtype=jnp.float32)
    Wd2 = jax.random.normal(ks[6], (NH, NH), dtype=jnp.float32) * 0.05
    bd2 = jnp.zeros((NH,), dtype=jnp.float32)
    Wd3 = jax.random.normal(ks[7], (INPUT_DIM, NH), dtype=jnp.float32) * 0.05
    bd3 = jnp.zeros((INPUT_DIM,), dtype=jnp.float32)
    return {"x": x, "embed_pool": embed_pool,
            "We1": We1, "be1": be1, "We2": We2, "be2": be2, "We3": We3, "be3": be3,
            "Wd1": Wd1, "bd1": bd1, "Wd2": Wd2, "bd2": bd2, "Wd3": Wd3, "bd3": bd3}


def reference(x, embed_pool, We1, be1, We2, be2, We3, be3, Wd1, bd1, Wd2, bd2, Wd3, bd3):
    gelu = lambda v: jax.nn.gelu(v, approximate=False)
    # encoder (eval mode: dropout is identity)
    h = gelu(x @ We1.T + be1)
    h = gelu(h @ We2.T + be2)
    z_e = (h @ We3.T + be3).reshape(B, NQ, D)
    # quantize (no_grad region)
    factor = jax.lax.stop_gradient(jnp.einsum('cd,bnd->bnc', embed_pool, z_e))
    z_index = jnp.argmax(factor, axis=2)
    z_discrete = jax.nn.one_hot(z_index, K, dtype=jnp.int32)
    z_q = jnp.take(embed_pool, z_index, axis=0)
    # straight-through estimator
    z_ss = z_e - jax.lax.stop_gradient(z_e) + jax.lax.stop_gradient(z_q)
    z_ss = z_ss.reshape(B, NQ * D)
    # decoder
    h2 = gelu(z_ss @ Wd1.T + bd1)
    h2 = gelu(h2 @ Wd2.T + bd2)
    x_pred = jax.nn.sigmoid(h2 @ Wd3.T + bd3)
    loss = jnp.mean((x - x_pred) ** 2)
    loss = loss + jnp.mean((jax.lax.stop_gradient(z_e) - z_q) ** 2)
    loss = loss + 0.25 * jnp.mean((z_e - jax.lax.stop_gradient(z_q)) ** 2)
    loss = loss / x.shape[0]
    return (x_pred, z_discrete, loss)

if __name__ == "__main__":
    import jax
    _d = setup_inputs()
    print(jax.jit(kernel)(*tuple(_d.values())))

</pallas_src>

<mosaic_0001>
#map = affine_map<(d0, d1) -> (0, 0)>
module attributes {stable_mosaic.version = 14 : i64} {
  func.func @gather_kernel(%arg0: i32, %arg1: i32, %arg2: memref<8192x32xf32, #tpu.memory_space<hbm>>, %arg3: memref<64x128xi32, #tpu.memory_space<hbm>>, %arg4: memref<8192x32xf32, #tpu.memory_space<hbm>>, %arg5: memref<2x128xi32, #tpu.memory_space<vmem>>, %arg6: memref<256x32xf32, #tpu.memory_space<vmem>>, %arg7: memref<!tpu.dma_semaphore, #tpu.memory_space<semaphore_mem>>) attributes {dimension_semantics = [#tpu.dimension_semantics<core_parallel>, #tpu.dimension_semantics<subcore_parallel>], iteration_bounds = array<i64: 2, 16>, scalar_prefetch = 0 : i64, scratch_operands = 3 : i64, tpu.core_type = #tpu.core_type<sc_vector_subcore>, window_params = [{transform_indices = #map}, {transform_indices = #map}, {transform_indices = #map}]} {
    %mul3A = arith.constant 2 : i32
    %mul3A_0 = arith.muli %arg1, %mul3A : i32
    %add3A = arith.addi %mul3A_0, %arg0 : i32
    %mul3A_1 = arith.constant 256 : i32
    %mul3A_2 = arith.muli %add3A, %mul3A_1 : i32
    %mul3A_3 = arith.constant 2 : i32
    %mul3A_4 = arith.muli %add3A, %mul3A_3 : i32
    "tpu.region"() ({
      %run_scoped3A = tpu.sem_alloc : memref<!tpu.dma_semaphore, #tpu.memory_space<semaphore_mem>>
      %dma_start3A_43 = arith.constant 0 : i32
      %dma_start3A_44 = tpu.memref_slice %arg3[%mul3A_4, %dma_start3A_43] : memref<64x128xi32, #tpu.memory_space<hbm>> -> memref<2x128xi32, #tpu.memory_space<hbm>>
      %dma_start3A_45 = arith.constant 0 : i32
      %dma_start3A_46 = tpu.memref_slice %arg3[%mul3A_4, %dma_start3A_45] : memref<64x128xi32, #tpu.memory_space<hbm>> -> memref<2x128xi32, #tpu.memory_space<hbm>>
      tpu.enqueue_dma source(%dma_start3A_46 : memref<2x128xi32, #tpu.memory_space<hbm>>) target(%arg5 : memref<2x128xi32, #tpu.memory_space<vmem>>) target_semaphore(%run_scoped3A : memref<!tpu.dma_semaphore, #tpu.memory_space<semaphore_mem>>)
      %dma_wait3A_47 = arith.constant 0 : i32
      %dma_wait3A_48 = tpu.memref_slice %arg3[%mul3A_4, %dma_wait3A_47] : memref<64x128xi32, #tpu.memory_space<hbm>> -> memref<2x128xi32, #tpu.memory_space<hbm>>
      %dma_wait3A_49 = arith.constant 0 : i32
      %dma_wait3A_50 = tpu.memref_slice %arg3[%mul3A_4, %dma_wait3A_49] : memref<64x128xi32, #tpu.memory_space<hbm>> -> memref<2x128xi32, #tpu.memory_space<hbm>>
      tpu.wait_dma2 semaphore(%run_scoped3A : memref<!tpu.dma_semaphore, #tpu.memory_space<semaphore_mem>>) src(%dma_wait3A_50 : memref<2x128xi32, #tpu.memory_space<hbm>>) dst(%arg5 : memref<2x128xi32, #tpu.memory_space<vmem>>)
      tpu.yield
    }) : () -> ()
    %dma_start3A = arith.constant 0 : i32
    %dma_start3A_5 = arith.constant 0 : i32
    %dma_start3A_6 = arith.constant 0 : i32
    %dma_start3A_7 = tpu.memref_slice %arg6[%dma_start3A_5, %dma_start3A_6] : memref<256x32xf32, #tpu.memory_space<vmem>> -> memref<128x32xf32, #tpu.memory_space<vmem>>
    %dma_start3A_8 = arith.constant 0 : i32
    %dma_start3A_9 = tpu.memref_slice %arg5[%dma_start3A, %dma_start3A_8] : memref<2x128xi32, #tpu.memory_space<vmem>> -> memref<1x128xi32, #tpu.memory_space<vmem>>
    %dma_start3A_10 = tpu.memref_squeeze %dma_start3A_9 : memref<1x128xi32, #tpu.memory_space<vmem>> -> memref<128xi32, #tpu.memory_space<vmem>>
    %dma_start3A_11 = arith.constant 0 : i32
    %dma_start3A_12 = arith.constant 0 : i32
    %dma_start3A_13 = tpu.memref_slice %arg2[%dma_start3A_11, %dma_start3A_12] : memref<8192x32xf32, #tpu.memory_space<hbm>> -> memref<8192x32xf32, #tpu.memory_space<hbm>>
    tpu.enqueue_indirect_dma source(%dma_start3A_13 : memref<8192x32xf32, #tpu.memory_space<hbm>>) target(%dma_start3A_7 : memref<128x32xf32, #tpu.memory_space<vmem>>) offsets(%dma_start3A_10 : memref<128xi32, #tpu.memory_space<vmem>>) semaphore(%arg7 : memref<!tpu.dma_semaphore, #tpu.memory_space<semaphore_mem>>)
    %dma_start3A_14 = arith.constant 1 : i32
    %dma_start3A_15 = arith.constant 128 : i32
    %dma_start3A_16 = arith.constant 0 : i32
    %dma_start3A_17 = tpu.memref_slice %arg6[%dma_start3A_15, %dma_start3A_16] : memref<256x32xf32, #tpu.memory_space<vmem>> -> memref<128x32xf32, #tpu.memory_space<vmem>>
    %dma_start3A_18 = arith.constant 0 : i32
    %dma_start3A_19 = tpu.memref_slice %arg5[%dma_start3A_14, %dma_start3A_18] : memref<2x128xi32, #tpu.memory_space<vmem>> -> memref<1x128xi32, #tpu.memory_space<vmem>>
    %dma_start3A_20 = tpu.memref_squeeze %dma_start3A_19 : memref<1x128xi32, #tpu.memory_space<vmem>> -> memref<128xi32, #tpu.memory_space<vmem>>
    %dma_start3A_21 = arith.constant 0 : i32
    %dma_start3A_22 = arith.constant 0 : i32
    %dma_start3A_23 = tpu.memref_slice %arg2[%dma_start3A_21, %dma_start3A_22] : memref<8192x32xf32, #tpu.memory_space<hbm>> -> memref<8192x32xf32, #tpu.memory_space<hbm>>
    tpu.enqueue_indirect_dma source(%dma_start3A_23 : memref<8192x32xf32, #tpu.memory_space<hbm>>) target(%dma_start3A_17 : memref<128x32xf32, #tpu.memory_space<vmem>>) offsets(%dma_start3A_20 : memref<128xi32, #tpu.memory_space<vmem>>) semaphore(%arg7 : memref<!tpu.dma_semaphore, #tpu.memory_space<semaphore_mem>>)
    %dma_wait3A = arith.constant 0 : i32
    %dma_wait3A_24 = arith.constant 0 : i32
    %dma_wait3A_25 = arith.constant 0 : i32
    %dma_wait3A_26 = tpu.memref_slice %arg6[%dma_wait3A_24, %dma_wait3A_25] : memref<256x32xf32, #tpu.memory_space<vmem>> -> memref<128x32xf32, #tpu.memory_space<vmem>>
    %dma_wait3A_27 = arith.constant 0 : i32
    %dma_wait3A_28 = tpu.memref_slice %arg5[%dma_wait3A, %dma_wait3A_27] : memref<2x128xi32, #tpu.memory_space<vmem>> -> memref<1x128xi32, #tpu.memory_space<vmem>>
    %dma_wait3A_29 = tpu.memref_squeeze %dma_wait3A_28 : memref<1x128xi32, #tpu.memory_space<vmem>> -> memref<128xi32, #tpu.memory_space<vmem>>
    %dma_wait3A_30 = arith.constant 0 : i32
    %dma_wait3A_31 = arith.constant 0 : i32
    %dma_wait3A_32 = tpu.memref_slice %arg2[%dma_wait3A_30, %dma_wait3A_31] : memref<8192x32xf32, #tpu.memory_space<hbm>> -> memref<8192x32xf32, #tpu.memory_space<hbm>>
    tpu.wait_indirect_dma semaphore(%arg7 : memref<!tpu.dma_semaphore, #tpu.memory_space<semaphore_mem>>) src(%dma_wait3A_32 : memref<8192x32xf32, #tpu.memory_space<hbm>>) dst(%dma_wait3A_26 : memref<128x32xf32, #tpu.memory_space<vmem>>)
    %dma_wait3A_33 = arith.constant 1 : i32
    %dma_wait3A_34 = arith.constant 128 : i32
    %dma_wait3A_35 = arith.constant 0 : i32
    %dma_wait3A_36 = tpu.memref_slice %arg6[%dma_wait3A_34, %dma_wait3A_35] : memref<256x32xf32, #tpu.memory_space<vmem>> -> memref<128x32xf32, #tpu.memory_space<vmem>>
    %dma_wait3A_37 = arith.constant 0 : i32
    %dma_wait3A_38 = tpu.memref_slice %arg5[%dma_wait3A_33, %dma_wait3A_37] : memref<2x128xi32, #tpu.memory_space<vmem>> -> memref<1x128xi32, #tpu.memory_space<vmem>>
    %dma_wait3A_39 = tpu.memref_squeeze %dma_wait3A_38 : memref<1x128xi32, #tpu.memory_space<vmem>> -> memref<128xi32, #tpu.memory_space<vmem>>
    %dma_wait3A_40 = arith.constant 0 : i32
    %dma_wait3A_41 = arith.constant 0 : i32
    %dma_wait3A_42 = tpu.memref_slice %arg2[%dma_wait3A_40, %dma_wait3A_41] : memref<8192x32xf32, #tpu.memory_space<hbm>> -> memref<8192x32xf32, #tpu.memory_space<hbm>>
    tpu.wait_indirect_dma semaphore(%arg7 : memref<!tpu.dma_semaphore, #tpu.memory_space<semaphore_mem>>) src(%dma_wait3A_42 : memref<8192x32xf32, #tpu.memory_space<hbm>>) dst(%dma_wait3A_36 : memref<128x32xf32, #tpu.memory_space<vmem>>)
    "tpu.region"() ({
      %run_scoped3A = tpu.sem_alloc : memref<!tpu.dma_semaphore, #tpu.memory_space<semaphore_mem>>
      %dma_start3A_43 = arith.constant 0 : i32
      %dma_start3A_44 = tpu.memref_slice %arg4[%mul3A_2, %dma_start3A_43] : memref<8192x32xf32, #tpu.memory_space<hbm>> -> memref<256x32xf32, #tpu.memory_space<hbm>>
      %dma_start3A_45 = arith.constant 0 : i32
      %dma_start3A_46 = tpu.memref_slice %arg4[%mul3A_2, %dma_start3A_45] : memref<8192x32xf32, #tpu.memory_space<hbm>> -> memref<256x32xf32, #tpu.memory_space<hbm>>
      tpu.enqueue_dma source(%arg6 : memref<256x32xf32, #tpu.memory_space<vmem>>) target(%dma_start3A_46 : memref<256x32xf32, #tpu.memory_space<hbm>>) target_semaphore(%run_scoped3A : memref<!tpu.dma_semaphore, #tpu.memory_space<semaphore_mem>>)
      %dma_wait3A_47 = arith.constant 0 : i32
      %dma_wait3A_48 = tpu.memref_slice %arg4[%mul3A_2, %dma_wait3A_47] : memref<8192x32xf32, #tpu.memory_space<hbm>> -> memref<256x32xf32, #tpu.memory_space<hbm>>
      %dma_wait3A_49 = arith.constant 0 : i32
      %dma_wait3A_50 = tpu.memref_slice %arg4[%mul3A_2, %dma_wait3A_49] : memref<8192x32xf32, #tpu.memory_space<hbm>> -> memref<256x32xf32, #tpu.memory_space<hbm>>
      tpu.wait_dma2 semaphore(%run_scoped3A : memref<!tpu.dma_semaphore, #tpu.memory_space<semaphore_mem>>) src(%arg6 : memref<256x32xf32, #tpu.memory_space<vmem>>) dst(%dma_wait3A_50 : memref<256x32xf32, #tpu.memory_space<hbm>>)
      tpu.yield
    }) : () -> ()
    return
  }
}

module attributes {stable_mosaic.version = 14 : i64} {
  func.func @_encoder_body(%arg0: memref<1024x1024xf32, #tpu.memory_space<vmem>>, %arg1: memref<1024x128xf32, #tpu.memory_space<vmem>>, %arg2: memref<1x128xf32, #tpu.memory_space<vmem>>, %arg3: memref<128x128xf32, #tpu.memory_space<vmem>>, %arg4: memref<1x128xf32, #tpu.memory_space<vmem>>, %arg5: memref<128x256xf32, #tpu.memory_space<vmem>>, %arg6: memref<1x256xf32, #tpu.memory_space<vmem>>, %arg7: memref<1024x256xf32, #tpu.memory_space<vmem>>) attributes {dimension_semantics = [], scalar_prefetch = 0 : i64, scratch_operands = 0 : i64, tpu.core_type = #tpu.core_type<tc>} {
    %get3A = arith.constant 0 : index
    %get3A_0 = arith.constant 0 : index
    %get3A_1 = vector.load %arg0[%get3A, %get3A_0] : memref<1024x1024xf32, #tpu.memory_space<vmem>>, vector<1024x1024xf32>
    %get3A_2 = arith.constant 0 : index
    %get3A_3 = arith.constant 0 : index
    %get3A_4 = vector.load %arg1[%get3A_2, %get3A_3] : memref<1024x128xf32, #tpu.memory_space<vmem>>, vector<1024x128xf32>
    %dot_general3A = arith.constant dense<0.000000e+00> : vector<1024x128xf32>
    %dot_general3A_5 = tpu.matmul %get3A_1, %get3A_4, %dot_general3A {dimension_numbers = #tpu.dot_dimension_numbers<[1], [0], [0], [1], [0, 0, 1, 1], [], []>, transpose_lhs_hint = false} : vector<1024x1024xf32>, vector<1024x128xf32>, vector<1024x128xf32> -> vector<1024x128xf32>
    %get3A_6 = arith.constant 0 : index
    %get3A_7 = arith.constant 0 : index
    %get3A_8 = vector.load %arg2[%get3A_6, %get3A_7] : memref<1x128xf32, #tpu.memory_space<vmem>>, vector<1x128xf32>
    %add3A = vector.broadcast %get3A_8 : vector<1x128xf32> to vector<1024x128xf32>
    %add3A_9 = arith.addf %dot_general3A_5, %add3A : vector<1024x128xf32>
    %mul3A = arith.constant 5.000000e-01 : f32
    %mul3A_10 = vector.broadcast %mul3A : f32 to vector<1024x128xf32>
    %mul3A_11 = arith.mulf %mul3A_10, %add3A_9 : vector<1024x128xf32>
    %mul3A_12 = arith.constant 0.707106769 : f32
    %mul3A_13 = vector.broadcast %mul3A_12 : f32 to vector<1024x128xf32>
    %mul3A_14 = arith.mulf %add3A_9, %mul3A_13 : vector<1024x128xf32>
    %erf3A = math.erf %mul3A_14 : vector<1024x128xf32>
    %add3A_15 = arith.constant 1.000000e+00 : f32
    %add3A_16 = vector.broadcast %add3A_15 : f32 to vector<1024x128xf32>
    %add3A_17 = arith.addf %add3A_16, %erf3A : vector<1024x128xf32>
    %mul3A_18 = arith.mulf %mul3A_11, %add3A_17 : vector<1024x128xf32>
    %get3A_19 = arith.constant 0 : index
    %get3A_20 = arith.constant 0 : index
    %get3A_21 = vector.load %arg3[%get3A_19, %get3A_20] : memref<128x128xf32, #tpu.memory_space<vmem>>, vector<128x128xf32>
    %dot_general3A_22 = arith.constant dense<0.000000e+00> : vector<1024x128xf32>
    %dot_general3A_23 = tpu.matmul %mul3A_18, %get3A_21, %dot_general3A_22 {dimension_numbers = #tpu.dot_dimension_numbers<[1], [0], [0], [1], [0, 0, 1, 1], [], []>, transpose_lhs_hint = false} : vector<1024x128xf32>, vector<128x128xf32>, vector<1024x128xf32> -> vector<1024x128xf32>
    %get3A_24 = arith.constant 0 : index
    %get3A_25 = arith.constant 0 : index
    %get3A_26 = vector.load %arg4[%get3A_24, %get3A_25] : memref<1x128xf32, #tpu.memory_space<vmem>>, vector<1x128xf32>
    %add3A_27 = vector.broadcast %get3A_26 : vector<1x128xf32> to vector<1024x128xf32>
    %add3A_28 = arith.addf %dot_general3A_23, %add3A_27 : vector<1024x128xf32>
    %mul3A_29 = arith.constant 5.000000e-01 : f32
    %mul3A_30 = vector.broadcast %mul3A_29 : f32 to vector<1024x128xf32>
    %mul3A_31 = arith.mulf %mul3A_30, %add3A_28 : vector<1024x128xf32>
    %mul3A_32 = arith.constant 0.707106769 : f32
    %mul3A_33 = vector.broadcast %mul3A_32 : f32 to vector<1024x128xf32>
    %mul3A_34 = arith.mulf %add3A_28, %mul3A_33 : vector<1024x128xf32>
    %erf3A_35 = math.erf %mul3A_34 : vector<1024x128xf32>
    %add3A_36 = arith.constant 1.000000e+00 : f32
    %add3A_37 = vector.broadcast %add3A_36 : f32 to vector<1024x128xf32>
    %add3A_38 = arith.addf %add3A_37, %erf3A_35 : vector<1024x128xf32>
    %mul3A_39 = arith.mulf %mul3A_31, %add3A_38 : vector<1024x128xf32>
    %get3A_40 = arith.constant 0 : index
    %get3A_41 = arith.constant 0 : index
    %get3A_42 = vector.load %arg5[%get3A_40, %get3A_41] : memref<128x256xf32, #tpu.memory_space<vmem>>, vector<128x256xf32>
    %dot_general3A_43 = arith.constant dense<0.000000e+00> : vector<1024x256xf32>
    %dot_general3A_44 = tpu.matmul %mul3A_39, %get3A_42, %dot_general3A_43 {dimension_numbers = #tpu.dot_dimension_numbers<[1], [0], [0], [1], [0, 0, 1, 1], [], []>, transpose_lhs_hint = false} : vector<1024x128xf32>, vector<128x256xf32>, vector<1024x256xf32> -> vector<1024x256xf32>
    %get3A_45 = arith.constant 0 : index
    %get3A_46 = arith.constant 0 : index
    %get3A_47 = vector.load %arg6[%get3A_45, %get3A_46] : memref<1x256xf32, #tpu.memory_space<vmem>>, vector<1x256xf32>
    %add3A_48 = vector.broadcast %get3A_47 : vector<1x256xf32> to vector<1024x256xf32>
    %add3A_49 = arith.addf %dot_general3A_44, %add3A_48 : vector<1024x256xf32>
    %swap3A = arith.constant 0 : index
    %swap3A_50 = arith.constant 0 : index
    %swap3A_51 = vector.load %arg7[%swap3A, %swap3A_50] : memref<1024x256xf32, #tpu.memory_space<vmem>>, vector<1024x256xf32>
    tpu.vector_store %arg7[%swap3A, %swap3A_50], %add3A_49 {strides = array<i32>} : memref<1024x256xf32, #tpu.memory_space<vmem>>, vector<1024x256xf32>,
    return
  }
}

module attributes {stable_mosaic.version = 14 : i64} {
  func.func @_quant_body(%arg0: i32, %arg1: memref<256x32xf32, #tpu.memory_space<vmem>>, %arg2: memref<32x8192xf32, #tpu.memory_space<vmem>>, %arg3: memref<1x2x128xi32, #tpu.memory_space<vmem>>, %arg4: memref<256x8192xi32, #tpu.memory_space<vmem>>) attributes {dimension_semantics = [#tpu.dimension_semantics<arbitrary>], iteration_bounds = array<i64: 32>, scalar_prefetch = 0 : i64, scratch_operands = 0 : i64, tpu.core_type = #tpu.core_type<tc>, window_params = [{transform_indices = @transform_0, window_bounds = array<i64: 256, 32>}, {pipeline_mode = #tpu.pipeline_mode<synchronous>, transform_indices = @transform_1, window_bounds = array<i64: 32, 8192>}, {transform_indices = @transform_2, window_bounds = array<i64: 1, 2, 128>}, {transform_indices = @transform_3, window_bounds = array<i64: 256, 8192>}]} {
    %get3A = arith.constant 0 : index
    %get3A_0 = arith.constant 0 : index
    %get3A_1 = vector.load %arg1[%get3A, %get3A_0] : memref<256x32xf32, #tpu.memory_space<vmem>>, vector<256x32xf32>
    %get3A_2 = arith.constant 0 : index
    %get3A_3 = arith.constant 0 : index
    %get3A_4 = vector.load %arg2[%get3A_2, %get3A_3] : memref<32x8192xf32, #tpu.memory_space<vmem>>, vector<32x8192xf32>
    %dot_general3A = arith.constant dense<0.000000e+00> : vector<256x8192xf32>
    %dot_general3A_5 = tpu.matmul %get3A_1, %get3A_4, %dot_general3A {dimension_numbers = #tpu.dot_dimension_numbers<[1], [0], [0], [1], [0, 0, 1, 1], [], []>, transpose_lhs_hint = false} : vector<256x32xf32>, vector<32x8192xf32>, vector<256x8192xf32> -> vector<256x8192xf32>
    %argmax3A = tpu.reduce_index %dot_general3A_5 {axis = 1 : i32, kind = #tpu.reduction_kind<arg_max>} : vector<256x8192xf32> -> vector<256xi32>
    %iota3A = tpu.iota {dimensions = array<i32: 1>} : vector<256x8192xi32>
    %broadcast_in_dim3A = vector.shape_cast %argmax3A : vector<256xi32> to vector<256x1xi32>
    %eq3A = vector.broadcast %broadcast_in_dim3A : vector<256x1xi32> to vector<256x8192xi32>
    %eq3A_6 = arith.cmpi eq, %iota3A, %eq3A : vector<256x8192xi32>
    %convert_element_type3A = arith.extui %eq3A_6 : vector<256x8192xi1> to vector<256x8192xi32>
    %swap3A = arith.constant 0 : index
    %swap3A_7 = arith.constant 0 : index
    %swap3A_8 = vector.load %arg4[%swap3A, %swap3A_7] : memref<256x8192xi32, #tpu.memory_space<vmem>>, vector<256x8192xi32>
    tpu.vector_store %arg4[%swap3A, %swap3A_7], %convert_element_type3A {strides = array<i32>} : memref<256x8192xi32, #tpu.memory_space<vmem>>, vector<256x8192xi32>,
    %reshape3A = vector.shape_cast %argmax3A : vector<256xi32> to vector<1x2x128xi32>
    %swap3A_9 = arith.constant 0 : index
    %swap3A_10 = arith.constant 0 : index
    %swap3A_11 = arith.constant 0 : index
    %swap3A_12 = vector.load %arg3[%swap3A_9, %swap3A_10, %swap3A_11] : memref<1x2x128xi32, #tpu.memory_space<vmem>>, vector<1x2x128xi32>
    tpu.vector_store %arg3[%swap3A_9, %swap3A_10, %swap3A_11], %reshape3A {strides = array<i32>} : memref<1x2x128xi32, #tpu.memory_space<vmem>>, vector<1x2x128xi32>,
    return
  }
  func.func @transform_0(%arg0: i32) -> (i32, i32) {
    %c0_i32 = arith.constant 0 : i32
    %c0_i32_0 = arith.constant 0 : i32
    return %arg0, %c0_i32 : i32, i32
  }
  func.func @transform_1(%arg0: i32) -> (i32, i32) {
    %c0_i32 = arith.constant 0 : i32
    %c0_i32_0 = arith.constant 0 : i32
    %c0_i32_1 = arith.constant 0 : i32
    return %c0_i32, %c0_i32_0 : i32, i32
  }
  func.func @transform_2(%arg0: i32) -> (i32, i32, i32) {
    %c0_i32 = arith.constant 0 : i32
    %c0_i32_0 = arith.constant 0 : i32
    %c0_i32_1 = arith.constant 0 : i32
    return %arg0, %c0_i32, %c0_i32_0 : i32, i32, i32
  }
  func.func @transform_3(%arg0: i32) -> (i32, i32) {
    %c0_i32 = arith.constant 0 : i32
    %c0_i32_0 = arith.constant 0 : i32
    return %arg0, %c0_i32 : i32, i32
  }
}

module attributes {stable_mosaic.version = 14 : i64} {
  func.func @_decoder_body(%arg0: memref<1024x1024xf32, #tpu.memory_space<vmem>>, %arg1: memref<1024x256xf32, #tpu.memory_space<vmem>>, %arg2: memref<1024x256xf32, #tpu.memory_space<vmem>>, %arg3: memref<100x256xf32, #tpu.memory_space<vmem>>, %arg4: memref<1x100xf32, #tpu.memory_space<vmem>>, %arg5: memref<100x100xf32, #tpu.memory_space<vmem>>, %arg6: memref<1x100xf32, #tpu.memory_space<vmem>>, %arg7: memref<1024x100xf32, #tpu.memory_space<vmem>>, %arg8: memref<1x1024xf32, #tpu.memory_space<vmem>>, %arg9: memref<1024x1024xf32, #tpu.memory_space<vmem>>, %arg10: memref<1x128xf32, #tpu.memory_space<vmem>>) attributes {dimension_semantics = [], scalar_prefetch = 0 : i64, scratch_operands = 0 : i64, tpu.core_type = #tpu.core_type<tc>} {
    %get3A = arith.constant 0 : index
    %get3A_0 = arith.constant 0 : index
    %get3A_1 = vector.load %arg1[%get3A, %get3A_0] : memref<1024x256xf32, #tpu.memory_space<vmem>>, vector<1024x256xf32>
    %get3A_2 = arith.constant 0 : index
    %get3A_3 = arith.constant 0 : index
    %get3A_4 = vector.load %arg3[%get3A_2, %get3A_3] : memref<100x256xf32, #tpu.memory_space<vmem>>, vector<100x256xf32>
    %dot_general3A = arith.constant dense<0.000000e+00> : vector<1024x100xf32>
    %dot_general3A_5 = tpu.matmul %get3A_1, %get3A_4, %dot_general3A {dimension_numbers = #tpu.dot_dimension_numbers<[1], [1], [0], [0], [0, 0, 1, 0], [], []>, transpose_lhs_hint = false} : vector<1024x256xf32>, vector<100x256xf32>, vector<1024x100xf32> -> vector<1024x100xf32>
    %get3A_6 = arith.constant 0 : index
    %get3A_7 = arith.constant 0 : index
    %get3A_8 = vector.load %arg4[%get3A_6, %get3A_7] : memref<1x100xf32, #tpu.memory_space<vmem>>, vector<1x100xf32>
    %add3A = vector.broadcast %get3A_8 : vector<1x100xf32> to vector<1024x100xf32>
    %add3A_9 = arith.addf %dot_general3A_5, %add3A : vector<1024x100xf32>
    %mul3A = arith.constant 5.000000e-01 : f32
    %mul3A_10 = vector.broadcast %mul3A : f32 to vector<1024x100xf32>
    %mul3A_11 = arith.mulf %mul3A_10, %add3A_9 : vector<1024x100xf32>
    %mul3A_12 = arith.constant 0.707106769 : f32
    %mul3A_13 = vector.broadcast %mul3A_12 : f32 to vector<1024x100xf32>
    %mul3A_14 = arith.mulf %add3A_9, %mul3A_13 : vector<1024x100xf32>
    %erf3A = math.erf %mul3A_14 : vector<1024x100xf32>
    %add3A_15 = arith.constant 1.000000e+00 : f32
    %add3A_16 = vector.broadcast %add3A_15 : f32 to vector<1024x100xf32>
    %add3A_17 = arith.addf %add3A_16, %erf3A : vector<1024x100xf32>
    %mul3A_18 = arith.mulf %mul3A_11, %add3A_17 : vector<1024x100xf32>
    %get3A_19 = arith.constant 0 : index
    %get3A_20 = arith.constant 0 : index
    %get3A_21 = vector.load %arg5[%get3A_19, %get3A_20] : memref<100x100xf32, #tpu.memory_space<vmem>>, vector<100x100xf32>
    %dot_general3A_22 = arith.constant dense<0.000000e+00> : vector<1024x100xf32>
    %dot_general3A_23 = tpu.matmul %mul3A_18, %get3A_21, %dot_general3A_22 {dimension_numbers = #tpu.dot_dimension_numbers<[1], [1], [0], [0], [0, 0, 1, 0], [], []>, transpose_lhs_hint = false} : vector<1024x100xf32>, vector<100x100xf32>, vector<1024x100xf32> -> vector<1024x100xf32>
    %get3A_24 = arith.constant 0 : index
    %get3A_25 = arith.constant 0 : index
    %get3A_26 = vector.load %arg6[%get3A_24, %get3A_25] : memref<1x100xf32, #tpu.memory_space<vmem>>, vector<1x100xf32>
    %add3A_27 = vector.broadcast %get3A_26 : vector<1x100xf32> to vector<1024x100xf32>
    %add3A_28 = arith.addf %dot_general3A_23, %add3A_27 : vector<1024x100xf32>
    %mul3A_29 = arith.constant 5.000000e-01 : f32
    %mul3A_30 = vector.broadcast %mul3A_29 : f32 to vector<1024x100xf32>
    %mul3A_31 = arith.mulf %mul3A_30, %add3A_28 : vector<1024x100xf32>
    %mul3A_32 = arith.constant 0.707106769 : f32
    %mul3A_33 = vector.broadcast %mul3A_32 : f32 to vector<1024x100xf32>
    %mul3A_34 = arith.mulf %add3A_28, %mul3A_33 : vector<1024x100xf32>
    %erf3A_35 = math.erf %mul3A_34 : vector<1024x100xf32>
    %add3A_36 = arith.constant 1.000000e+00 : f32
    %add3A_37 = vector.broadcast %add3A_36 : f32 to vector<1024x100xf32>
    %add3A_38 = arith.addf %add3A_37, %erf3A_35 : vector<1024x100xf32>
    %mul3A_39 = arith.mulf %mul3A_31, %add3A_38 : vector<1024x100xf32>
    %get3A_40 = arith.constant 0 : index
    %get3A_41 = arith.constant 0 : index
    %get3A_42 = vector.load %arg7[%get3A_40, %get3A_41] : memref<1024x100xf32, #tpu.memory_space<vmem>>, vector<1024x100xf32>
    %dot_general3A_43 = arith.constant dense<0.000000e+00> : vector<1024x1024xf32>
    %dot_general3A_44 = tpu.matmul %mul3A_39, %get3A_42, %dot_general3A_43 {dimension_numbers = #tpu.dot_dimension_numbers<[1], [1], [0], [0], [0, 0, 1, 0], [], []>, transpose_lhs_hint = false} : vector<1024x100xf32>, vector<1024x100xf32>, vector<1024x1024xf32> -> vector<1024x1024xf32>
    %get3A_45 = arith.constant 0 : index
    %get3A_46 = arith.constant 0 : index
    %get3A_47 = vector.load %arg8[%get3A_45, %get3A_46] : memref<1x1024xf32, #tpu.memory_space<vmem>>, vector<1x1024xf32>
    %add3A_48 = vector.broadcast %get3A_47 : vector<1x1024xf32> to vector<1024x1024xf32>
    %add3A_49 = arith.addf %dot_general3A_44, %add3A_48 : vector<1024x1024xf32>
    %logistic3A = arith.negf %add3A_49 : vector<1024x1024xf32>
    %logistic3A_50 = math.exp %logistic3A : vector<1024x1024xf32>
    %logistic3A_51 = arith.constant 1.000000e+00 : f32
    %logistic3A_52 = vector.broadcast %logistic3A_51 : f32 to vector<1024x1024xf32>
    %logistic3A_53 = arith.addf %logistic3A_52, %logistic3A_50 : vector<1024x1024xf32>
    %logistic3A_54 = arith.divf %logistic3A_52, %logistic3A_53 : vector<1024x1024xf32>
    %swap3A = arith.constant 0 : index
    %swap3A_55 = arith.constant 0 : index
    %swap3A_56 = vector.load %arg9[%swap3A, %swap3A_55] : memref<1024x1024xf32, #tpu.memory_space<vmem>>, vector<1024x1024xf32>
    tpu.vector_store %arg9[%swap3A, %swap3A_55], %logistic3A_54 {strides = array<i32>} : memref<1024x1024xf32, #tpu.memory_space<vmem>>, vector<1024x1024xf32>,
    %get3A_57 = arith.constant 0 : index
    %get3A_58 = arith.constant 0 : index
    %get3A_59 = vector.load %arg0[%get3A_57, %get3A_58] : memref<1024x1024xf32, #tpu.memory_space<vmem>>, vector<1024x1024xf32>
    %sub3A = arith.subf %get3A_59, %logistic3A_54 : vector<1024x1024xf32>
    %integer_pow3A = arith.mulf %sub3A, %sub3A : vector<1024x1024xf32>
    %reduce_sum3A = vector.shape_cast %integer_pow3A : vector<1024x1024xf32> to vector<1x1024x1024xf32>
    %reduce_sum3A_60 = arith.constant dense<0.000000e+00> : vector<1xf32>
    %reduce_sum3A_61 = vector.multi_reduction <add>, %reduce_sum3A, %reduce_sum3A_60 [1, 2] : vector<1x1024x1024xf32> to vector<1xf32>
    %reduce_sum3A_62 = vector.shape_cast %reduce_sum3A_61 : vector<1xf32> to vector<1x1x1xf32>
    %reduce_sum3A_63 = vector.extract %reduce_sum3A_62[0, 0, 0] : f32 from vector<1x1x1xf32>
    %div3A = arith.constant 0x49800000 : f32
    %div3A_64 = arith.divf %reduce_sum3A_63, %div3A : f32
    %get3A_65 = arith.constant 0 : index
    %get3A_66 = arith.constant 0 : index
    %get3A_67 = vector.load %arg2[%get3A_65, %get3A_66] : memref<1024x256xf32, #tpu.memory_space<vmem>>, vector<1024x256xf32>
    %get3A_68 = arith.constant 0 : index
    %get3A_69 = arith.constant 0 : index
    %get3A_70 = vector.load %arg1[%get3A_68, %get3A_69] : memref<1024x256xf32, #tpu.memory_space<vmem>>, vector<1024x256xf32>
    %sub3A_71 = arith.subf %get3A_67, %get3A_70 : vector<1024x256xf32>
    %integer_pow3A_72 = arith.mulf %sub3A_71, %sub3A_71 : vector<1024x256xf32>
    %reduce_sum3A_73 = vector.shape_cast %integer_pow3A_72 : vector<1024x256xf32> to vector<1x1024x256xf32>
    %reduce_sum3A_74 = arith.constant dense<0.000000e+00> : vector<1xf32>
    %reduce_sum3A_75 = vector.multi_reduction <add>, %reduce_sum3A_73, %reduce_sum3A_74 [1, 2] : vector<1x1024x256xf32> to vector<1xf32>
    %reduce_sum3A_76 = vector.shape_cast %reduce_sum3A_75 : vector<1xf32> to vector<1x1x1xf32>
    %reduce_sum3A_77 = vector.extract %reduce_sum3A_76[0, 0, 0] : f32 from vector<1x1x1xf32>
    %div3A_78 = arith.constant 2.621440e+05 : f32
    %div3A_79 = arith.divf %reduce_sum3A_77, %div3A_78 : f32
    %mul3A_80 = arith.constant 1.250000e+00 : f32
    %mul3A_81 = arith.mulf %mul3A_80, %div3A_79 : f32
    %add3A_82 = arith.addf %div3A_64, %mul3A_81 : f32
    %div3A_83 = arith.constant 1.024000e+03 : f32
    %div3A_84 = arith.divf %add3A_82, %div3A_83 : f32
    %broadcast_in_dim3A = vector.broadcast %div3A_84 : f32 to vector<1x128xf32>
    %swap3A_85 = arith.constant 0 : index
    %swap3A_86 = arith.constant 0 : index
    %swap3A_87 = vector.load %arg10[%swap3A_85, %swap3A_86] : memref<1x128xf32, #tpu.memory_space<vmem>>, vector<1x128xf32>
    tpu.vector_store %arg10[%swap3A_85, %swap3A_86], %broadcast_in_dim3A {strides = array<i32>} : memref<1x128xf32, #tpu.memory_space<vmem>>, vector<1x128xf32>,
    return
  }
}

</mosaic_0001>

<sc_bundles>
// kernel: kernel.6.cloned.1.call-start
scs
__scs_entry_jumppad:
0x0: {  	(pc) =	sbr.rel $0x88, $3  }
0x1: {  	(tag) =	ssettag $0x0;
	lr =	simm.s32 $0x1  }
0x2: {  	[smem:$0x3F93] =	sst lr;
	_ =	strace $0xD0000000  }
0x3: {  	_ = 	snop  }
0x4: {  	_ = 	snop  }
0x5: {  	_ = 	snop  }
0x6: {  	_ = 	snop  }
0x7: {  	_ = 	snop  }
__scs_overlays_trampoline_lowered:
0x8: {  	[smem:$0x3FA2] =	sst s0  }
0x9: {  	[smem:$0x3FA3] =	sst s1  }
0xa: {  	[smem:$0x3FA4] =	sst s2  }
0xb: {  	[smem:$0x3FA5] =	sst s3  }
0xc: {  	[smem:$0x3FA6] =	sst s4  }
0xd: {  	[smem:$0x3FA7] =	sst s5  }
0xe: {  	[smem:$0x3FA8] =	sst s6  }
0xf: {  	[smem:$0x3FA9] =	sst s7  }
0x10: {  	[smem:$0x3FAA] =	sst s8  }
0x11: {  	[smem:$0x3FAB] =	sst s9;
	s0 =	simm.s32 @!p0 $0x0  }
0x12: {  	s1 =	sld [smem:$0x3F91];
	s0 =	simm.s32 @p0 $0x1  }
0x13: {  	[smem:$0x3FAC] =	sst s0;
	s0 =	simm.s32 @!p1 $0x0  }
0x14: {  	s2 =	sld [smem:$0x3F90];
	s0 =	simm.s32 @p1 $0x1  }
0x15: {  	[smem:$0x3FAD] =	sst s0;
	s0 =	simm.s32 @!p2 $0x0  }
0x16: {  	s3 =	sld [smem:$0x3FDB];
	s0 =	simm.s32 @p2 $0x1  }
0x17: {  	s4 =	simm.s32 $0x1BF5;
	[smem:$0x3FAF] =	sst s0  }
0x18: {  	s0 =	sld [smem:$0x3F92];
	_ =	swait.ge [sflag:s4], $0x0  }
0x19: {  	s7 =	sld [smem:$0x3F93]  }
0x1a: {  	s8 =	sadd.s32 $0xFFFFE003, lr  }
0x1b: {  	s9 =	sadd.s32 $0xFFFFFEF7, lr;
	s5 =	simm.s32 $0xFFFFFFFF;
	p2 =	slt.u32 s8, $0xFFFFF086  }
0x1c: {  	p1 =	slt.u32 s9, $0xF7A;
	s5 =	simm.s32 @!p2 $0x0  }
0x1d: {  	s5 =	simm.s32 @p1 $0x1;
	p0 =	seq.s32 s7, s2  }
0x1e: {  	s7 =	smul.u32 @!p0 $0xF7A, s2;
	p2 =	seq.s32 @!p0 s5, $0x0  }
0x1f: {  	s9 =	smul.u32 $0xF7A, s1;
	s8 =	simm.s32 @!p0 $0x1BF5;
	p2 =	por !p2, p0  }
0x20: {  	[sflag:s8] =	ssyncset.s32 @!p0 $0xFFFFF086;
	s6 =	sadd.s32 @!p0 s3, s7;
	s7 =	simm.s32 @!p0 $0x108  }
0x21: {  	s3 =	sadd.s32 s3, s9;
	s6 =	sadd.s32 @!p0 $0x88, s6;
	s7 =	simm.s32 @p2 $0x1082  }
0x22: {  	[simem:s7], [sflag:s8] =	dma.local @!p0 [hbm:s6], $0xF7A  }
0x23: {  	s9 =	sor.u32 $0xD0000000, s2;
	s6 =	simm.s32 $0x108;
	_ =	swait.ge @!p0 [sflag:s8], $0x0  }
0x24: {  	s3 =	sadd.s32 $0x88, s3;
	s6 =	simm.s32 @!p1 $0x1082;
	[sflag:s4] =	ssyncset.s32 $0xFFFFF086  }
0x25: {  	[simem:s6], [sflag:s4] =	dma.local [hbm:s3], $0xF7A  }
0x26: {  	[smem:$0x3F93] =	sst s1;
	(tag) =	ssettag s2;
	_ =	strace s9  }
0x27: {  	s1 =	sld [smem:$0x3FA3]  }
0x28: {  	s2 =	sld [smem:$0x3FA4]  }
0x29: {  	s4 =	sld [smem:$0x3FA6]  }
0x2a: {  	p0 =	seq.s32 s5, $0x0;
	s5 =	sld [smem:$0x3FA7]  }
0x2b: {  	s6 =	sld [smem:$0x3FA8]  }
0x2c: {  	s7 =	sld [smem:$0x3FA9]  }
0x2d: {  	s3 =	simm.s32 $0x108;
	s8 =	sld [smem:$0x3FAA]  }
0x2e: {  	s3 =	simm.s32 @!p0 $0x1082;
	s9 =	sld [smem:$0x3FAB]  }
0x2f: {  	lr =	sadd.s32 s0, s3;
	s0 =	sld [smem:$0x3FA2]  }
0x30: {  	s3 =	sld [smem:$0x3FA5]  }
0x31: {  	[smem:$0x3FAE] =	sst s10  }
0x32: {  	s10 =	sld [smem:$0x3FAC];
	_ =	sdelay $0x3  }
0x33: {  	p0 =	seq.s32 s10, $0x1;
	s10 =	sld [smem:$0x3FAE];
	_ =	sdelay $0x3  }
0x34: {  	[smem:$0x3FAE] =	sst s10  }
0x35: {  	s10 =	sld [smem:$0x3FAD];
	_ =	sdelay $0x3  }
0x36: {  	p1 =	seq.s32 s10, $0x1;
	s10 =	sld [smem:$0x3FAE];
	_ =	sdelay $0x3  }
0x37: {  	[smem:$0x3FAE] =	sst s10  }
0x38: {  	s10 =	sld [smem:$0x3FAF]  }
0x39: {  	_ = 	snop;
	(pc) =	sbr.ind lr, $3  }
0x3a: {  	_ = 	snop  }
0x3b: {  	_ = 	snop  }
0x3c: {  	p2 =	seq.s32 s10, $0x1;
	s10 =	sld [smem:$0x3FAE]  }
0x3d: {  	_ =	shalt  }
0x3e: {  	_ =	shalt  }
0x3f: {  	_ =	shalt  }
0x40: {  	_ =	shalt  }
0x41: {  	_ =	shalt  }
0x42: {  	_ =	shalt  }
0x43: {  	_ =	shalt  }
0x44: {  	_ =	shalt  }
0x45: {  	_ =	shalt  }
0x46: {  	_ =	shalt  }
0x47: {  	_ =	shalt  }
0x48: {  	_ =	shalt  }
0x49: {  	_ =	shalt  }
0x4a: {  	_ =	shalt  }
0x4b: {  	_ =	shalt  }
0x4c: {  	_ =	shalt  }
0x4d: {  	_ =	shalt  }
0x4e: {  	_ =	shalt  }
0x4f: {  	_ =	shalt  }
0x50: {  	_ =	shalt  }
0x51: {  	_ =	shalt  }
0x52: {  	_ =	shalt  }
0x53: {  	_ =	shalt  }
0x54: {  	_ =	shalt  }
0x55: {  	_ =	shalt  }
0x56: {  	_ =	shalt  }
0x57: {  	_ =	shalt  }
0x58: {  	_ =	shalt  }
0x59: {  	_ =	shalt  }
0x5a: {  	_ =	shalt  }
0x5b: {  	_ =	shalt  }
0x5c: {  	_ =	shalt  }
0x5d: {  	_ =	shalt  }
0x5e: {  	_ =	shalt  }
0x5f: {  	_ =	shalt  }
0x60: {  	_ =	shalt  }
0x61: {  	_ =	shalt  }
0x62: {  	_ =	shalt  }
0x63: {  	_ =	shalt  }
0x64: {  	_ =	shalt  }
0x65: {  	_ =	shalt  }
0x66: {  	_ =	shalt  }
0x67: {  	_ =	shalt  }
0x68: {  	_ =	shalt  }
0x69: {  	_ =	shalt  }
0x6a: {  	_ =	shalt  }
0x6b: {  	_ =	shalt  }
0x6c: {  	_ =	shalt  }
0x6d: {  	_ =	shalt  }
0x6e: {  	_ =	shalt  }
0x6f: {  	_ =	shalt  }
0x70: {  	_ =	shalt  }
0x71: {  	_ =	shalt  }
0x72: {  	_ =	shalt  }
0x73: {  	_ =	shalt  }
0x74: {  	_ =	shalt  }
0x75: {  	_ =	shalt  }
0x76: {  	_ =	shalt  }
0x77: {  	_ =	shalt  }
0x78: {  	_ =	shalt  }
0x79: {  	_ =	shalt  }
0x7a: {  	_ =	shalt  }
0x7b: {  	_ =	shalt  }
0x7c: {  	_ =	shalt  }
0x7d: {  	_ =	shalt  }
0x7e: {  	_ =	shalt  }
0x7f: {  	_ =	shalt  }
0x80: {  	_ =	shalt  }
0x81: {  	_ =	shalt  }
0x82: {  	_ =	shalt  }
0x83: {  	_ =	shalt  }
0x84: {  	_ =	shalt  }
0x85: {  	_ =	shalt  }
0x86: {  	_ =	shalt  }
0x87: {  	_ =	shalt  }
.Lfunc_end0:
.L_simem_size_0:
called_computation_lowered:
.L_overlay_start_0:
0x88: {  	s2 =	sld [smem:$0x3FD9]  }
0x89: {  	s3 =	sld [smem:$0x3FFE];
	_ =	sdelay $0x1  }
0x8a: {  	s1 =	srdreg.scid  }
0x8b: {  	s0 =	sand.u32 $0x1, s1  }
0x8c: {  	s14 =	sshll.u32 s0, $0xA;
	s2 =	sadd.s32 s3, s2  }
0x8d: {  	s2 =	sadd.s32 s2, s14  }
0x8e: {  	[smem:$0x3FBA] =	sst s2  }
0x8f: {  	_ = 	snop  }
0x90: {  	s2 =	sld [smem:$0x3FD0];
	_ =	sdelay $0x2  }
0x91: {  	s15 =	simm.s32 $0xA;
	s4 =	simm.s32 $0x10  }
0x92: {  	[smem:s4], [sflag:s15] =	dma.local [hbm:s2], $0x1  }
0x93: {  	_ =	swait.eq [sflag:s15], $0x1  }
0x94: {  	[sflag:s15] =	ssyncset.done $0x0  }
0x95: {  	[sflag:s15] =	ssyncadd.s32 $0xFFFFFFFF  }
0x96: {  	s16 =	sld [smem:$0x10];
	(tm) =	ssettm $0x1  }
0x97: {  	s17 =	sld [smem:$0x3FFB];
	_ =	sdelay $0x3  }
0x98: {  	_ =	strace s17  }
0x99: {  	s3 =	sld [smem:$0x3FFC];
	_ =	sdelay $0x3  }
0x9a: {  	_ =	strace s3  }
0x9b: {  	s3 =	sld [smem:$0x3FFD];
	_ =	sdelay $0x3  }
0x9c: {  	_ =	strace s3  }
0x9d: {  	_ =	strace $0x8FFFFFFF  }
0x9e: {  	s18 =	sld [smem:$0x3FDB];
	_ =	sdelay $0x1  }
0x9f: {  	s19 =	simm.s32 $_scs_section_size  }
0xa0: {  	s5 =	simm.s32 $_size__tile_overlayer_lowered;
	s6 =	simm.s32 $_tile_overlayer_lowered  }
0xa1: {  	s22 =	simm.s32 $0x1BFF;
	s21 =	sshll.u32 s6, $0x1;
	s3 =	sadd.s32 s19, s18  }
0xa2: {  	s7 =	simm.s32 $0x0;
	s20 =	sshll.u32 s5, $0x1;
	s5 =	sadd.s32 s21, s3  }
0xa3: {  	[timem:s7], [sflag:s22] =	dma.local [hbm:s5], s20  }
0xa4: {  	_ =	swait.ge [sflag:s22], s20  }
0xa5: {  	s4 =	ssub.s32 $0x0, s20;
	[sflag:s22] =	ssyncset.done $0x0  }
0xa6: {  	[sflag:s22] =	ssyncadd.s32 s4;
	_ =	sdelay $0x1  }
0xa7: {  	s23 =	simm.s32 $0x1B8B  }
0xa8: {  	_ =	swait.ge [sflag:s23], $0x1  }
0xa9: {  	[sflag:s23] =	ssyncset.done $0x0  }
0xaa: {  	s25 =	simm.s32 $0x1B8E;
	s24 =	sld [smem:$0x3FFE];
	[sflag:s23] =	ssyncadd.s32 $0xFFFFFFFF  }
0xab: {  	s26 =	simm.s32 $execute0_lowered;
	[smem:$0x3FD2] =	sst s25  }
0xac: {  	s5 =	sshll.u32 s26, $0x1;
	_ =	strace $0x80000046;
	[dreg:$0x1] =	wrdreg $0xFFFFFFFF  }
0xad: {  	s28 =	simm.s32 $_size_execute0_lowered;
	s3 =	sadd.s32 s3, s5;
	[dreg:$0x0] =	wrdreg $0x0  }
0xae: {  	s5 =	sshll.u32 s28, $0x1;
	[dreg:$0x2] =	wrdreg s3  }
0xaf: {  	[dreg:$0x3] =	wrdreg s5  }
0xb0: {  	[dreg:$0x4] =	wrdreg $0xC0  }
0xb1: {  	_ =	task [dreg:s7], $0x5FFFF  }
0xb2: {  	[dreg:$0x1] =	wrdreg $0xFFFFFFFF  }
0xb3: {  	[dreg:$0x0] =	wrdreg $0x60  }
0xb4: {  	[dreg:$0x2] =	wrdreg s16  }
0xb5: {  	[dreg:$0x3] =	wrdreg s24  }
0xb6: {  	[dreg:$0x4] =	wrdreg $0x9  }
0xb7: {  	_ =	task.clear_ibuf [dreg:s7], $0x5FFFF;
	_ =	strace $0x90000046  }
0xb8: {  	s29 =	simm.s32 $0x9;
	_ =	strace $0x80000048  }
0xb9: {  	_ =	swait.ge [sflag:s29], $0x1  }
0xba: {  	[sflag:s29] =	ssyncadd.s32 $0xFFFFFFFF  }
0xbb: {  	_ =	strace $0x90000048  }
0xbc: {  	_ =	sfence  }
0xbd: {  	s30 =	sld [smem:$0x0];
	_ =	sdelay $0x2  }
0xbe: {  	s31 =	sshll.u32 s1, $0xD;
	s1 =	sshrl.u32 s1, $0x2  }
0xbf: {  	s3 =	sand.u32 $0x4000, s31;
	s1 =	sadd.s32 s1, s30  }
0xc0: {  	s0 =	sor.u32 s3, s0;
	s1 =	sshll.u32 s1, $0x11  }
0xc1: {  	s0 =	sor.u32 s1, s0  }
0xc2: {  	s0 =	sadd.s32 $0x8F2B, s0  }
0xc3: {  	[sflag:s0] =	ssyncadd.remote.s32 $0x1  }
0xc4: {  	_ =	sfence.sel $0xFFFF  }
0xc5: {  	[dreg:$0x0] =	wrdreg $0xFFFFFFFF;
	(pc) =	sbr.abs _section_cstart, $3  }
0xc6: {  	[dreg:$0x1] =	wrdreg $0xFFFFFFFF  }
0xc7: {  	_ =	task.clear_ibuf [dreg:s7], $0x2FFFF;
	_ =	strace $0x9FFFFFFF  }
0xc8: {  	(tm) =	ssettm $0x7FFFFFFF  }
0xc9: {  	_ =	shalt  }
tec
execute0_lowered:
.L_overlay_start_1:
0x0: {  	(tag) =	ssettag $0x1  }
0x1: {  	s1 =	srdreg.scid;
	s0 =	stileid.u32  }
0x2: {  	s2 =	rddreg [dreg:$0x0];
	s10 =	sand.u32 $0x1, s1;
	s29 =	sshll.u32 s0, $0x1  }
0x3: {  	s11 =	rddreg [dreg:$0x1];
	s12 =	sor.u32 s10, s29  }
0x4: {  	s3 =	simm.s32 $0x0;
	s1 =	rddreg [dreg:$0x2];
	s4 =	sshll.u32 s12, $0x5  }
0x5: {  	[smem:$0x7FF] =	sst s3;
	s4 =	sadd.s32 s4, s11  }
0x6: {  	_ =	strace $0x80000047;
	s5 =	sadd.s32 $0x2000, s4;
	s4 =	simm.s32 $0x2  }
0x7: {  	[tilespmem:s3], [sflag:$0x2] =	stream.linear.gather [hbm4b:s5+s3], $0x100, $0x38;
	[tilespmem:$0x2100] =	vst v63  }
0x8: {  	_ =	swait.ge [sflag:s4], $0x100  }
0x9: {  	[sflag:s4] =	ssyncset.done $0x0  }
0xa: {  	s6 =	simm.s32 $0x80;
	s7 =	simm.s32 $0x100;
	[sflag:s4] =	ssyncadd.s32 $0xFFFFFF00  }
0xb: {  	[tilespmem:s7], [sflag:$0x1] =	stream.indirect.gather [hbm4b:s2+s6], $0x20, s3, s6, $0xb8;
	[tilespmem:$0x2100] =	vst v63  }
0xc: {  	s8 =	simm.s32 $0x1100;
	s9 =	simm.s32 $0x1;
	s10 =	ssub.s32 $0x2, s10  }
0xd: {  	[tilespmem:s8], [sflag:$0x1] =	stream.indirect.gather [hbm4b:s2+s6], $0x20, s6, s6, $0xb8;
	[tilespmem:$0x2100] =	vst v63  }
0xe: {  	s13 =	sshrl.u32 s10, $0x1;
	_ =	swait.ge [sflag:s9], $0x1000  }
0xf: {  	s30 =	ssub.s32 s10, s13;
	[sflag:s9] =	ssyncset.done $0x0  }
0x10: {  	s31 =	smax.u32 s30, $0x1;
	[sflag:s9] =	ssyncadd.s32 $0xFFFFF000  }
0x11: {  	s12 =	sshll.u32 s12, $0xA;
	p0 =	sne.s32 s31, $0x1;
	_ =	swait.ge [sflag:s9], $0x1000  }
.Ltmp0:
0x12: {  	s11 =	sadd.s32 s12, s11;
	[sflag:s9] =	ssyncset.done $0x0;
	(pc) =	sbr.rel @!p0 .LBB2_2-.Ltmp0, $4  }
0x13: {  	s10 =	sadd.s32 $0x2400, s11;
	[sflag:s9] =	ssyncadd.s32 $0xFFFFF000  }
0x14: {  	[hbm4b:s10+s3] =	stream.linear.scatter [tilespmem:s7], [sflag:$0x2], $0x2000, $0x38;
	[tilespmem:$0x2100] =	vst v63  }
0x15: {  	_ =	swait.ge [sflag:s4], $0x2000  }
0x16: {  	s11 =	sadd.s32 $0xFFFFFFFF, s31;
	[sflag:s4] =	ssyncset.done $0x0  }
.LBB2_1:
0x17: {  	p0 =	sne.s32 s11, $0x1;
	s11 =	sadd.s32 $0xFFFFFFFF, s11;
	[sflag:s4] =	ssyncadd.s32 $0xFFFFE000  }
0x18: {  	[tilespmem:s3], [sflag:$0x2] =	stream.linear.gather [hbm4b:s5+s3], $0x100, $0x38;
	[tilespmem:$0x2100] =	vst v63  }
0x19: {  	_ =	swait.ge [sflag:s4], $0x100  }
0x1a: {  	[sflag:s4] =	ssyncset.done $0x0  }
0x1b: {  	[sflag:s4] =	ssyncadd.s32 $0xFFFFFF00  }
0x1c: {  	[tilespmem:s7], [sflag:$0x1] =	stream.indirect.gather [hbm4b:s2+s6], $0x20, s3, s6, $0xb8;
	[tilespmem:$0x2100] =	vst v63  }
0x1d: {  	_ = 	snop  }
0x1e: {  	[tilespmem:s8], [sflag:$0x1] =	stream.indirect.gather [hbm4b:s2+s6], $0x20, s6, s6, $0xb8;
	[tilespmem:$0x2100] =	vst v63  }
0x1f: {  	_ =	swait.ge [sflag:s9], $0x1000  }
0x20: {  	[sflag:s9] =	ssyncset.done $0x0  }
0x21: {  	[sflag:s9] =	ssyncadd.s32 $0xFFFFF000  }
0x22: {  	_ =	swait.ge [sflag:s9], $0x1000  }
.Ltmp1:
0x23: {  	[sflag:s9] =	ssyncset.done $0x0;
	(pc) =	sbr.rel @p0 .LBB2_1-.Ltmp1, $4  }
0x24: {  	[sflag:s9] =	ssyncadd.s32 $0xFFFFF000  }
0x25: {  	[hbm4b:s10+s3] =	stream.linear.scatter [tilespmem:s7], [sflag:$0x2], $0x2000, $0x38;
	[tilespmem:$0x2100] =	vst v63  }
0x26: {  	_ =	swait.ge [sflag:s4], $0x2000  }
0x27: {  	[sflag:s4] =	ssyncset.done $0x0  }
.LBB2_2:
0x28: {  	[sflag:s4] =	ssyncadd.s32 $0xFFFFE000  }
0x29: {  	_ =	sfence.sel $0x180000  }
0x2a: {  	[bflag:$0x0] =	sbarrier.arrive $0xFFFF  }
0x2b: {  	p0 =	sne.s32 s0, $0x0;
	_ =	strace $0x90000047  }
0x2c: {  	s0 =	sadd.s32 @!p0 $0x100000, s1;
	[bflag:$0x2] =	sbarrier.arrive $0xFFFF  }
0x2d: {  	[sflag:s0] =	ssyncadd.tile.s32 @!p0 $0x1;
	_ =	shalt  }
.Lfunc_end2:
_tile_overlayer_lowered:
.L_overlay_start_2:
0x2e: {  	(tag) =	ssettag $0x2  }
0x2f: {  	s0 =	rddreg [dreg:$0x0];
	s2 =	stileid.u32  }
0x30: {  	s1 =	rddreg [dreg:$0x1];
	p0 =	sne.s32 s2, $0x0  }
0x31: {  	s3 =	rddreg [dreg:$0x2];
	[bflag:$0x3] =	sbarrier.arrive $0xFFFF;
	s2 =	simm.s32 @!p0 $0x1C02  }
0x32: {  	[timem:s3], [sflag:s2] =	dma.local @!p0 [hbm:s0], s1  }
0x33: {  	s0 =	simm.s32 @!p0 $0x2  }
0x34: {  	_ =	swait.ge @!p0 [sflag:s0], s1  }
0x35: {  	s1 =	ssub.s32 @!p0 $0x0, s1;
	[sflag:s0] =	ssyncset.done @!p0 $0x0  }
0x36: {  	[sflag:s0] =	ssyncadd.s32 @!p0 s1  }
0x37: {  	[bflag:$0x3] =	sbarrier.arrive $0xFFFF  }
0x38: {  	_ =	shalt  }

</sc_bundles>
